<compile_context>
chip_gen: v7x
topology: tpu7x:2x2x1
jax: 0.10.2.dev20260603
libtpu: 0.0.44.dev20260713+nightly
codegen_flags: <defaults>
</compile_context>

<pallas_src>
import functools

import jax
import jax.numpy as jnp
from jax import lax
from jax.experimental import pallas as pl
from jax.experimental.pallas import tpu as pltpu
from jax.experimental.pallas import tpu_sc as plsc

N0, N1, N2, NNET = 10000, 2500, 625, 8000
D = 128
NW = 32
CHUNK = 128
EALIGN = NW * CHUNK


def _ceil_to(x, m):
    return (x + m - 1) // m * m


@functools.partial(jax.jit, static_argnums=(3,))
def _sc_segsum(feat, src1d, dst1d, nd_acc):
    c_tot = src1d.shape[0] // CHUNK
    cpw = c_tot // NW
    zc = nd_acc // 16 // 64
    mesh = plsc.VectorSubcoreMesh(core_axis_name="c", subcore_axis_name="s")

    @functools.partial(
        pl.kernel,
        out_type=jax.ShapeDtypeStruct((2, nd_acc, 128), jnp.float32),
        mesh=mesh,
        compiler_params=pltpu.CompilerParams(needs_layout_passes=False),
        scratch_types=[
            pltpu.VMEM((CHUNK,), jnp.int32),
            pltpu.VMEM((CHUNK,), jnp.int32),
            pltpu.VMEM((CHUNK,), jnp.int32),
            pltpu.VMEM((CHUNK,), jnp.int32),
            pltpu.VMEM((CHUNK, 128), jnp.float32),
            pltpu.VMEM((CHUNK, 128), jnp.float32),
            pltpu.VMEM((64, 128), jnp.float32),
            pltpu.VMEM_SHARED((nd_acc, 128), jnp.float32),
            pltpu.SemaphoreType.DMA,
            pltpu.SemaphoreType.DMA,
        ],
    )
    def k(feat_h, src_h, dst_h, out_h,
          src0_v, src1_v, dst0_v, dst1_v, rows0_v, rows1_v, zero_v, acc_s,
          sem0, sem1):
        c = lax.axis_index("c")
        s = lax.axis_index("s")
        w = c * 16 + s
        z16 = jnp.zeros((16,), jnp.float32)
        ebase = w * (cpw * CHUNK)

        def zrow(i, carry):
            for j in range(8):
                zero_v[i, pl.ds(j * 16, 16)] = z16
            return carry
        lax.fori_loop(0, 64, zrow, 0)

        zb = s * (nd_acc // 16)
        for q in range(zc):
            pltpu.sync_copy(zero_v, acc_s.at[pl.ds(zb + q * 64, 64)])
        plsc.subcore_barrier()

        bufs = (rows0_v, rows1_v)
        srcs = (src0_v, src1_v)
        dsts = (dst0_v, dst1_v)
        sems = (sem0, sem1)
        pltpu.sync_copy(src_h.at[pl.ds(ebase, CHUNK)], src0_v)
        pend = {0: pltpu.async_copy(feat_h.at[src0_v], rows0_v, sem0)}
        for j in range(cpw):
            b = j % 2
            if j + 1 < cpw:
                nb = (j + 1) % 2
                pltpu.sync_copy(
                    dst_h.at[pl.ds(ebase + (j + 1) * CHUNK, CHUNK)] if False
                    else src_h.at[pl.ds(ebase + (j + 1) * CHUNK, CHUNK)],
                    srcs[nb])
                pend[j + 1] = pltpu.async_copy(
                    feat_h.at[srcs[nb]], bufs[nb], sems[nb])
            pltpu.sync_copy(dst_h.at[pl.ds(ebase + j * CHUNK, CHUNK)],
                            dsts[b])
            pend[j].wait()
            pltpu.sync_copy(bufs[b], acc_s.at[dsts[b]], add=True)
        plsc.subcore_barrier()

        orows = nd_acc // 16
        pltpu.sync_copy(acc_s.at[pl.ds(s * orows, orows)],
                        out_h.at[c, pl.ds(s * orows, orows)])

    return k(feat, src1d, dst1d)


NDEG = 36864
NDEGR = NDEG // 128


@jax.jit
def _sc_degrees(dst1d):
    c_tot = dst1d.shape[0] // CHUNK
    cpw = c_tot // NW
    mesh = plsc.VectorSubcoreMesh(core_axis_name="c", subcore_axis_name="s")

    @functools.partial(
        pl.kernel,
        out_type=jax.ShapeDtypeStruct((2, 16, NDEGR, 128), jnp.float32),
        mesh=mesh,
        compiler_params=pltpu.CompilerParams(needs_layout_passes=False),
        scratch_types=[
            pltpu.VMEM((CHUNK,), jnp.int32),
            pltpu.VMEM((NDEGR, 128), jnp.float32),
        ],
    )
    def k(dst_h, deg_h, dst_v, degl_v):
        c = lax.axis_index("c")
        s = lax.axis_index("s")
        w = c * 16 + s
        z16 = jnp.zeros((16,), jnp.float32)
        one16 = jnp.ones((16,), jnp.float32)

        def zrow(i, carry):
            for j in range(8):
                degl_v[i, pl.ds(j * 16, 16)] = z16
            return carry
        lax.fori_loop(0, NDEGR, zrow, 0)

        def body(j, carry):
            base = (w * cpw + j) * CHUNK
            pltpu.sync_copy(dst_h.at[pl.ds(base, CHUNK)], dst_v)
            for l in range(CHUNK // 16):
                dv = dst_v[pl.ds(l * 16, 16)]
                plsc.addupdate_scatter(
                    degl_v,
                    [lax.shift_right_logical(dv, 7), lax.bitwise_and(dv, 127)],
                    one16)
            return carry
        lax.fori_loop(0, cpw, body, 0)
        pltpu.sync_copy(degl_v, deg_h.at[c, s])

    return k(dst1d)


SEG = 1024
NNET_PAD = 8192
NPT = NNET_PAD // 16


@jax.jit
def _sc_segmax(feat, src1d, dst1d):
    nseg = src1d.shape[0] // SEG
    nsegh = nseg // 2
    mesh = plsc.VectorSubcoreMesh(core_axis_name="c", subcore_axis_name="s")

    @functools.partial(
        pl.kernel,
        out_type=jax.ShapeDtypeStruct((2, NNET_PAD, 128), jnp.float32),
        mesh=mesh,
        compiler_params=pltpu.CompilerParams(needs_layout_passes=False),
        scratch_types=[
            pltpu.VMEM((SEG,), jnp.int32),
            pltpu.VMEM((SEG,), jnp.int32),
            pltpu.VMEM((SEG + 16,), jnp.int32),
            pltpu.VMEM((SEG + 16,), jnp.int32),
            pltpu.VMEM((128, 128), jnp.float32),
            pltpu.VMEM((NPT, 128), jnp.float32),
            pltpu.SemaphoreType.DMA,
        ],
    )
    def k(feat_h, src_h, dst_h, out_h,
          dseg_v, sseg_v, cd_v, cs_v, rows_v, acc_v, sem):
        c = lax.axis_index("c")
        s = lax.axis_index("s")
        lo = s * NPT
        neg = jnp.full((16,), -jnp.inf, dtype=jnp.float32)
        z16i = jnp.zeros((16,), jnp.int32)
        i16 = lax.iota(jnp.int32, 16)

        def initr(i, carry):
            for j in range(8):
                acc_v[i, pl.ds(j * 16, 16)] = neg
            return carry
        lax.fori_loop(0, NPT, initr, 0)

        def initc(i, carry):
            cd_v[pl.ds(i * 16, 16)] = z16i
            cs_v[pl.ds(i * 16, 16)] = i16 + i * 16
            return carry
        lax.fori_loop(0, (SEG + 16) // 16, initc, 0)

        def seg_body(g0, carry):
            g = c * nsegh + g0
            pltpu.sync_copy(dst_h.at[pl.ds(g * SEG, SEG)], dseg_v)
            pltpu.sync_copy(src_h.at[pl.ds(g * SEG, SEG)], sseg_v)

            def comp(t, n):
                dv = dseg_v[pl.ds(t * 16, 16)]
                sv = sseg_v[pl.ds(t * 16, 16)]
                m = jnp.logical_and(dv >= lo, dv < lo + NPT)
                cum = plsc.cumsum(m.astype(jnp.int32))
                pos = cum + (n - 1)
                plsc.store_scatter(cd_v, [pos], dv, mask=m)
                plsc.store_scatter(cs_v, [pos], sv, mask=m)
                return n + jnp.max(cum)
            n = lax.fori_loop(0, SEG // 16, comp, jnp.int32(0))

            def blk(b, carry2):
                pltpu.async_copy(feat_h.at[cs_v.at[pl.ds(b * 128, 128)]],
                                 rows_v, sem).wait()

                def edge(e2, carry3):
                    e = b * 128 + e2

                    @pl.when(e < n)
                    def _():
                        gv = cd_v[pl.ds(lax.shift_right_logical(e, 4) * 16, 16)]
                        lane = lax.bitwise_and(e, 15)
                        d = jnp.max(jnp.where(i16 == lane, gv,
                                              jnp.int32(-2147483648)))
                        r = d - lo
                        for u in range(8):
                            acc_v[r, pl.ds(u * 16, 16)] = jnp.maximum(
                                acc_v[r, pl.ds(u * 16, 16)],
                                rows_v[e2, pl.ds(u * 16, 16)])
                    return carry3
                lax.fori_loop(0, 128, edge, 0)
                return carry2
            lax.fori_loop(0, (n + 127) // 128, blk, 0)
            return carry
        lax.fori_loop(0, nsegh, seg_body, 0)

        pltpu.sync_copy(acc_v, out_h.at[c, pl.ds(lo, NPT)])

    return k(feat, src1d, dst1d)


BN = 1024


def _mm_body(x_ref, w_ref, o_ref):
    o_ref[...] = jnp.dot(x_ref[...], w_ref[...],
                         preferred_element_type=jnp.float32)


def _tc_matmul(x, w):
    n, kd = x.shape
    m = w.shape[1]
    return pl.pallas_call(
        _mm_body,
        grid=(n // BN,),
        in_specs=[pl.BlockSpec((BN, kd), lambda i: (i, 0)),
                  pl.BlockSpec((kd, m), lambda i: (0, 0))],
        out_specs=pl.BlockSpec((BN, m), lambda i: (i, 0)),
        out_shape=jax.ShapeDtypeStruct((n, m), jnp.float32),
    )(x, w)


def _combine_body(sx_ref, p_ref, dp_ref, b_ref, o_ref):
    ps = p_ref[0] + p_ref[1]
    dg = jnp.maximum(jnp.sum(dp_ref[...], axis=(0, 1)), 1.0)
    ps3 = ps.reshape(BN // 128, 128, 128) / dg[:, :, None]
    o_ref[...] = jnp.tanh(sx_ref[...] + ps3.reshape(BN, 128) + b_ref[...])


def _tc_combine(sx, p, dp, base, b):
    n = sx.shape[0]
    bb = base // BN
    return pl.pallas_call(
        _combine_body,
        grid=(n // BN,),
        in_specs=[
            pl.BlockSpec((BN, 128), lambda i: (i, 0)),
            pl.BlockSpec((2, BN, 128), lambda i: (0, i, 0)),
            pl.BlockSpec((2, 16, BN // 128, 128), lambda i, b=bb: (0, 0, b + i, 0)),
            pl.BlockSpec((1, 128), lambda i: (0, 0)),
        ],
        out_specs=pl.BlockSpec((BN, 128), lambda i: (i, 0)),
        out_shape=jax.ShapeDtypeStruct((n, 128), jnp.float32),
    )(sx, p, dp, b.reshape(1, 128))


def _meanmm_body(p_ref, dp_ref, w_ref, o1_ref, o2_ref):
    ps = p_ref[0] + p_ref[1]
    dg = jnp.maximum(jnp.sum(dp_ref[...], axis=(0, 1)), 1.0)
    mfeat = (ps.reshape(BN // 128, 128, 128) / dg[:, :, None]).reshape(BN, 128)
    o1_ref[...] = mfeat
    o2_ref[...] = jnp.dot(mfeat, w_ref[...], preferred_element_type=jnp.float32)


def _tc_meanmm(p, dp, base, w, n):
    m = w.shape[1]
    bb = base // BN
    return pl.pallas_call(
        _meanmm_body,
        grid=(n // BN,),
        in_specs=[
            pl.BlockSpec((2, BN, 128), lambda i: (0, i, 0)),
            pl.BlockSpec((2, 16, BN // 128, 128), lambda i, b=bb: (0, 0, b + i, 0)),
            pl.BlockSpec((128, m), lambda i: (0, 0)),
        ],
        out_specs=[pl.BlockSpec((BN, 128), lambda i: (i, 0)),
                   pl.BlockSpec((BN, m), lambda i: (i, 0))],
        out_shape=[jax.ShapeDtypeStruct((n, 128), jnp.float32),
                   jax.ShapeDtypeStruct((n, m), jnp.float32)],
    )(p, dp, w)


def _upmm_body(a_ref, x_ref, cp_ref, wt_ref, wb_ref, o_ref):
    asum = a_ref[0] + a_ref[1]
    cnt = jnp.sum(cp_ref[...], axis=(0, 1))
    xc = (x_ref[...].reshape(BN // 128, 128, 128) * cnt[:, :, None]
          ).reshape(BN, 128)
    o_ref[...] = (jnp.dot(asum, wt_ref[...], preferred_element_type=jnp.float32)
                  + jnp.dot(xc, wb_ref[...], preferred_element_type=jnp.float32))


def _tc_upmm(p, x, cp, base, wt, wb):
    n = x.shape[0]
    m = wt.shape[1]
    bb = base // BN
    return pl.pallas_call(
        _upmm_body,
        grid=(n // BN,),
        in_specs=[
            pl.BlockSpec((2, BN, 128), lambda i: (0, i, 0)),
            pl.BlockSpec((BN, 128), lambda i: (i, 0)),
            pl.BlockSpec((2, 16, BN // 128, 128), lambda i, b=bb: (0, 0, b + i, 0)),
            pl.BlockSpec((128, m), lambda i: (0, 0)),
            pl.BlockSpec((128, m), lambda i: (0, 0)),
        ],
        out_specs=pl.BlockSpec((BN, m), lambda i: (i, 0)),
        out_shape=jax.ShapeDtypeStruct((n, m), jnp.float32),
    )(p, x, cp, wt, wb)


def _mlp_body(y_ref, w0_ref, b0_ref, w1_ref, b1_ref, o_ref):
    ym = jnp.maximum(y_ref[0], y_ref[1])
    y = jnp.where(ym > jnp.float32(-3e38), ym, 0.0)
    h = jnp.tanh(jnp.dot(y, w0_ref[...],
                         preferred_element_type=jnp.float32) + b0_ref[...])
    o_ref[...] = jnp.dot(h, w1_ref[...],
                         preferred_element_type=jnp.float32) + b1_ref[...]


def _tc_mlp(y, w0, b0, w1, b1):
    n = y.shape[1]
    return pl.pallas_call(
        _mlp_body,
        grid=(n // BN,),
        in_specs=[
            pl.BlockSpec((2, BN, 128), lambda i: (0, i, 0)),
            pl.BlockSpec((128, 128), lambda i: (0, 0)),
            pl.BlockSpec((1, 128), lambda i: (0, 0)),
            pl.BlockSpec((128, 1), lambda i: (0, 0)),
            pl.BlockSpec((1, 1), lambda i: (0, 0)),
        ],
        out_specs=pl.BlockSpec((BN, 1), lambda i: (i, 0)),
        out_shape=jax.ShapeDtypeStruct((n, 1), jnp.float32),
    )(y, w0, b0.reshape(1, 128), w1, b1.reshape(1, 1))


def _prep_edges(src, dst, nd):
    e = src.shape[0]
    ep = _ceil_to(e, EALIGN)
    pad = ep - e
    src_p = jnp.concatenate([src, jnp.zeros((pad,), jnp.int32)])
    dst_p = jnp.concatenate(
        [dst, nd + (jnp.arange(pad, dtype=jnp.int32) % 32)])
    return src_p, dst_p


def _prep_conn(src, dst):
    e = src.shape[0]
    ep = _ceil_to(e, SEG)
    pad = ep - e
    src_p = jnp.concatenate([src, jnp.zeros((pad,), jnp.int32)])
    dst_p = jnp.concatenate(
        [dst, jnp.full((pad,), 2 ** 30, dtype=jnp.int32)])
    return src_p, dst_p


def _pad_rows(a, n):
    return jnp.pad(a, ((0, n - a.shape[0]), (0, 0)))


def kernel(x, edge_lv0, d01_src, d01_dst, edge_lv1, d12_src, d12_dst,
           edge_lv2, u21_src, u21_dst, u10_src, u10_dst, conn_src, conn_dst,
           Ws0, Wn0, b0, Ws1, Wn1, b1, Ws2, Wn2, b2, Ws3, Wn3, b3,
           Ws4, Wn4, b4, Wm0, bm0, Wm1, bm1):
    NA0, NA1, NA2 = 10240, 3072, 1024
    NP1, NP2 = 3072, 1024
    NP0 = 10240

    e0 = _prep_edges(edge_lv0[0], edge_lv0[1], N0)
    e1 = _prep_edges(edge_lv1[0], edge_lv1[1], N1)
    e2 = _prep_edges(edge_lv2[0], edge_lv2[1], N2)
    ed01 = _prep_edges(d01_src, d01_dst, N1)
    ed12 = _prep_edges(d12_src, d12_dst, N2)
    eu21 = _prep_edges(u21_src, u21_dst, N1)
    eu10 = _prep_edges(u10_src, u10_dst, N0)
    cn = _prep_conn(conn_src, conn_dst)

    alldst = jnp.concatenate(
        [e0[1], ed01[1] + 10240, e1[1] + 14336, ed12[1] + 18432,
         e2[1] + 20480, eu21[1] + 22528, eu10[1] + 26624])
    DEG = _sc_degrees(alldst)
    B_LV0, B_D01, B_LV1, B_D12 = 0, 10240, 14336, 18432
    B_LV2, B_U21, B_U10 = 20480, 22528, 26624

    xp = _pad_rows(x, NP0)
    t0 = _tc_matmul(xp, jnp.concatenate([Wn0, Ws0], axis=1))
    xw0, xs0 = t0[:, :128], t0[:, 128:]
    Pa = _sc_segsum(xw0, e0[0], e0[1], NA0)
    x0 = _tc_combine(xs0, Pa, DEG, B_LV0, b0)

    Pb = _sc_segsum(x0, ed01[0], ed01[1], NA1)
    p1, pw1 = _tc_meanmm(Pb, DEG, B_D01, jnp.concatenate([Wn1, Ws1], axis=1), NP1)
    Pc = _sc_segsum(pw1[:, :128], e1[0], e1[1], NA1)
    x1 = _tc_combine(pw1[:, 128:], Pc, DEG, B_LV1, b1)

    Pd = _sc_segsum(x1, ed12[0], ed12[1], NA2)
    p2, pw2 = _tc_meanmm(Pd, DEG, B_D12, jnp.concatenate([Wn2, Ws2], axis=1), NP2)
    Pe = _sc_segsum(pw2[:, :128], e2[0], e2[1], NA2)
    x2 = _tc_combine(pw2[:, 128:], Pe, DEG, B_LV2, b2)

    Pf = _sc_segsum(x2, eu21[0], eu21[1], NA1)
    wt3 = jnp.concatenate([Wn3[:128], Ws3[:128]], axis=1)
    wb3 = jnp.concatenate([Wn3[128:], Ws3[128:]], axis=1)
    hh1 = _tc_upmm(Pf, x1, DEG, B_U21, wt3, wb3)
    Pg = _sc_segsum(hh1[:, :128], e1[0], e1[1], NA1)
    x1u = _tc_combine(hh1[:, 128:], Pg, DEG, B_LV1, b3)

    Ph = _sc_segsum(x1u, eu10[0], eu10[1], NA0)
    wt4 = jnp.concatenate([Wn4[:128], Ws4[:128]], axis=1)
    wb4 = jnp.concatenate([Wn4[128:], Ws4[128:]], axis=1)
    hh0 = _tc_upmm(Ph, x0, DEG, B_U10, wt4, wb4)
    Pi = _sc_segsum(hh0[:, :128], e0[0], e0[1], NA0)
    x0u = _tc_combine(hh0[:, 128:], Pi, DEG, B_LV0, b4)

    y = _sc_segmax(x0u, cn[0], cn[1])
    out = _tc_mlp(y, Wm0, bm0, Wm1, bm1)
    return out[:NNET]

# --- scband reference (transcript-rebuilt; emitter-appended) ---
"""Pipeline reference for scband-exgnn-16320875724917 (READ-ONLY COPY).

The authoritative reference and input builder live on the scoring server;
editing this copy changes nothing except your own understanding.
"""

import jax, jax.numpy as jnp
import numpy as np

N0, N1, N2, NNET = 10000, 2500, 625, 8000
D = 128


def setup_inputs(seed: int = 0) -> dict:
    key = jax.random.key(seed)
    ks = jax.random.split(key, 64)

    def ri(k, shape, hi):
        return jax.random.randint(k, shape, 0, hi, dtype=jnp.int32)

    def w(k, shape):
        return jax.random.normal(k, shape, dtype=jnp.float32) * 0.05

    inp = {}
    inp["x"] = jax.random.normal(ks[0], (N0, D), dtype=jnp.float32)
    inp["edge_lv0"] = ri(ks[1], (2, 320000), N0)
    inp["d01_src"] = ri(ks[2], (10000,), N0)
    inp["d01_dst"] = ri(ks[3], (10000,), N1)
    inp["edge_lv1"] = ri(ks[4], (2, 40000), N1)
    inp["d12_src"] = ri(ks[5], (2500,), N1)
    inp["d12_dst"] = ri(ks[6], (2500,), N2)
    inp["edge_lv2"] = ri(ks[7], (2, 10000), N2)
    inp["u21_src"] = ri(ks[8], (2500,), N2)
    inp["u21_dst"] = ri(ks[9], (2500,), N1)
    inp["u10_src"] = ri(ks[10], (10000,), N1)
    inp["u10_dst"] = ri(ks[11], (10000,), N0)
    inp["conn_src"] = ri(ks[12], (40000,), N0)
    inp["conn_dst"] = ri(ks[13], (40000,), NNET)
    # SAGEConv params: layers 0-2 are D->D, layers 3-4 are 2D->D (concat of up-message)
    dims = [(D, D), (D, D), (D, D), (2 * D, D), (2 * D, D)]
    for i, (di, do) in enumerate(dims):
        inp[f"Ws{i}"] = w(ks[20 + 3 * i], (di, do))
        inp[f"Wn{i}"] = w(ks[21 + 3 * i], (di, do))
        inp[f"b{i}"] = jnp.zeros((do,), jnp.float32)
    inp["Wm0"] = w(ks[40], (D, D))
    inp["bm0"] = jnp.zeros((D,), jnp.float32)
    inp["Wm1"] = w(ks[41], (D, 1))
    inp["bm1"] = jnp.zeros((1,), jnp.float32)
    return inp


def _mean_agg(feat, src, dst, n):
    s = jax.ops.segment_sum(feat[src], dst, num_segments=n)
    deg = jax.ops.segment_sum(jnp.ones(src.shape[0], jnp.float32), dst, num_segments=n)
    return s / jnp.maximum(deg, 1.0)[:, None]


def _sage(x, src, dst, Ws, Wn, b, n):
    # DGL SAGEConv('mean'): fc_self(h) + fc_neigh(mean_neigh(h)) + bias, then tanh.
    # feat_drop is identity in eval mode.
    nb = _mean_agg(x, src, dst, n)
    return jnp.tanh(x @ Ws + nb @ Wn + b)


def _seg_max0(feat, src, dst, n):
    m = jax.ops.segment_max(feat[src], dst, num_segments=n)
    return jnp.where(jnp.isfinite(m), m, 0.0)


def reference(x, edge_lv0, d01_src, d01_dst, edge_lv1, d12_src, d12_dst, edge_lv2,
              u21_src, u21_dst, u10_src, u10_dst, conn_src, conn_dst,
              Ws0, Wn0, b0, Ws1, Wn1, b1, Ws2, Wn2, b2, Ws3, Wn3, b3, Ws4, Wn4, b4,
              Wm0, bm0, Wm1, bm1):
    # down path
    x0 = _sage(x, edge_lv0[0], edge_lv0[1], Ws0, Wn0, b0, N0)
    p1 = _mean_agg(x0, d01_src, d01_dst, N1)
    x1 = _sage(p1, edge_lv1[0], edge_lv1[1], Ws1, Wn1, b1, N1)
    p2 = _mean_agg(x1, d12_src, d12_dst, N2)
    x2 = _sage(p2, edge_lv2[0], edge_lv2[1], Ws2, Wn2, b2, N2)
    # up path: message = hstack(src_x, dst_x), sum-reduced per dst
    msg1 = jnp.concatenate([x2[u21_src], x1[u21_dst]], axis=1)
    h1 = jax.ops.segment_sum(msg1, u21_dst, num_segments=N1)
    x1u = _sage(h1, edge_lv1[0], edge_lv1[1], Ws3, Wn3, b3, N1)
    msg0 = jnp.concatenate([x1u[u10_src], x0[u10_dst]], axis=1)
    h0 = jax.ops.segment_sum(msg0, u10_dst, num_segments=N0)
    x0u = _sage(h0, edge_lv0[0], edge_lv0[1], Ws4, Wn4, b4, N0)
    # split and max-reduce onto net nodes via 'conn' edges
    xa, xb = jnp.split(x0u, 2, axis=1)
    ymax = _seg_max0(xa, conn_src, conn_dst, NNET)
    ymin = _seg_max0(xb, conn_src, conn_dst, NNET)
    y = jnp.concatenate([ymax, ymin], axis=1)
    # MLP (dropout = identity in eval mode)
    h = jnp.tanh(y @ Wm0 + bm0)
    return h @ Wm1 + bm1

if __name__ == "__main__":
    import jax
    _d = setup_inputs()
    print(jax.jit(kernel)(*tuple(_d.values())))

</pallas_src>

<mosaic_0001>
#map = affine_map<(d0, d1) -> (0)>
#map1 = affine_map<(d0, d1) -> (0, 0, 0, 0)>
module attributes {stable_mosaic.version = 14 : i64} {
  func.func @k(%arg0: i32, %arg1: i32, %arg2: memref<409600xi32, #tpu.memory_space<hbm>>, %arg3: memref<2x16x288x128xf32, #tpu.memory_space<hbm>>, %arg4: memref<128xi32, #tpu.memory_space<vmem>>, %arg5: memref<288x128xf32, #tpu.memory_space<vmem>>) attributes {dimension_semantics = [#tpu.dimension_semantics<core_parallel>, #tpu.dimension_semantics<subcore_parallel>], iteration_bounds = array<i64: 2, 16>, scalar_prefetch = 0 : i64, scratch_operands = 2 : i64, tpu.core_type = #tpu.core_type<sc_vector_subcore>, window_params = [{transform_indices = #map}, {transform_indices = #map1}]} {
    %mul3A = arith.constant 16 : i32
    %mul3A_0 = arith.muli %arg0, %mul3A : i32
    %add3A = arith.addi %mul3A_0, %arg1 : i32
    %broadcast_in_dim3A = arith.constant 0.000000e+00 : f32
    %broadcast_in_dim3A_1 = vector.broadcast %broadcast_in_dim3A : f32 to vector<16xf32>
    %broadcast_in_dim3A_2 = arith.constant 1.000000e+00 : f32
    %broadcast_in_dim3A_3 = vector.broadcast %broadcast_in_dim3A_2 : f32 to vector<16xf32>
    %scan3A = arith.constant 0 : i32
    %scan3A_4 = arith.constant 0 : i32
    %scan3A_5 = arith.constant 288 : i32
    %scan3A_6 = arith.addi %scan3A_4, %scan3A_5 : i32
    %scan3A_7 = arith.constant 1 : i32
    scf.for %scan3A_15 = %scan3A_4 to %scan3A_6 step %scan3A_7  : i32 {
      %swap3A = arith.index_cast %scan3A_15 : i32 to index
      %swap3A_16 = arith.constant 0 : index
      %swap3A_17 = tpu.vector_load %arg5[%swap3A, %swap3A_16] {strides = array<i32>} : memref<288x128xf32, #tpu.memory_space<vmem>>, vector<16xf32>,
      tpu.vector_store %arg5[%swap3A, %swap3A_16], %broadcast_in_dim3A_1 {strides = array<i32>} : memref<288x128xf32, #tpu.memory_space<vmem>>, vector<16xf32>,
      %swap3A_18 = arith.index_cast %scan3A_15 : i32 to index
      %swap3A_19 = arith.constant 16 : index
      %swap3A_20 = tpu.vector_load %arg5[%swap3A_18, %swap3A_19] {strides = array<i32>} : memref<288x128xf32, #tpu.memory_space<vmem>>, vector<16xf32>,
      tpu.vector_store %arg5[%swap3A_18, %swap3A_19], %broadcast_in_dim3A_1 {strides = array<i32>} : memref<288x128xf32, #tpu.memory_space<vmem>>, vector<16xf32>,
      %swap3A_21 = arith.index_cast %scan3A_15 : i32 to index
      %swap3A_22 = arith.constant 32 : index
      %swap3A_23 = tpu.vector_load %arg5[%swap3A_21, %swap3A_22] {strides = array<i32>} : memref<288x128xf32, #tpu.memory_space<vmem>>, vector<16xf32>,
      tpu.vector_store %arg5[%swap3A_21, %swap3A_22], %broadcast_in_dim3A_1 {strides = array<i32>} : memref<288x128xf32, #tpu.memory_space<vmem>>, vector<16xf32>,
      %swap3A_24 = arith.index_cast %scan3A_15 : i32 to index
      %swap3A_25 = arith.constant 48 : index
      %swap3A_26 = tpu.vector_load %arg5[%swap3A_24, %swap3A_25] {strides = array<i32>} : memref<288x128xf32, #tpu.memory_space<vmem>>, vector<16xf32>,
      tpu.vector_store %arg5[%swap3A_24, %swap3A_25], %broadcast_in_dim3A_1 {strides = array<i32>} : memref<288x128xf32, #tpu.memory_space<vmem>>, vector<16xf32>,
      %swap3A_27 = arith.index_cast %scan3A_15 : i32 to index
      %swap3A_28 = arith.constant 64 : index
      %swap3A_29 = tpu.vector_load %arg5[%swap3A_27, %swap3A_28] {strides = array<i32>} : memref<288x128xf32, #tpu.memory_space<vmem>>, vector<16xf32>,
      tpu.vector_store %arg5[%swap3A_27, %swap3A_28], %broadcast_in_dim3A_1 {strides = array<i32>} : memref<288x128xf32, #tpu.memory_space<vmem>>, vector<16xf32>,
      %swap3A_30 = arith.index_cast %scan3A_15 : i32 to index
      %swap3A_31 = arith.constant 80 : index
      %swap3A_32 = tpu.vector_load %arg5[%swap3A_30, %swap3A_31] {strides = array<i32>} : memref<288x128xf32, #tpu.memory_space<vmem>>, vector<16xf32>,
      tpu.vector_store %arg5[%swap3A_30, %swap3A_31], %broadcast_in_dim3A_1 {strides = array<i32>} : memref<288x128xf32, #tpu.memory_space<vmem>>, vector<16xf32>,
      %swap3A_33 = arith.index_cast %scan3A_15 : i32 to index
      %swap3A_34 = arith.constant 96 : index
      %swap3A_35 = tpu.vector_load %arg5[%swap3A_33, %swap3A_34] {strides = array<i32>} : memref<288x128xf32, #tpu.memory_space<vmem>>, vector<16xf32>,
      tpu.vector_store %arg5[%swap3A_33, %swap3A_34], %broadcast_in_dim3A_1 {strides = array<i32>} : memref<288x128xf32, #tpu.memory_space<vmem>>, vector<16xf32>,
      %swap3A_36 = arith.index_cast %scan3A_15 : i32 to index
      %swap3A_37 = arith.constant 112 : index
      %swap3A_38 = tpu.vector_load %arg5[%swap3A_36, %swap3A_37] {strides = array<i32>} : memref<288x128xf32, #tpu.memory_space<vmem>>, vector<16xf32>,
      tpu.vector_store %arg5[%swap3A_36, %swap3A_37], %broadcast_in_dim3A_1 {strides = array<i32>} : memref<288x128xf32, #tpu.memory_space<vmem>>, vector<16xf32>,
    }
    %scan3A_8 = arith.constant 288 : i32
    %scan3A_9 = arith.constant 0 : i32
    %scan3A_10 = arith.constant 0 : i32
    %scan3A_11 = arith.constant 100 : i32
    %scan3A_12 = arith.addi %scan3A_10, %scan3A_11 : i32
    %scan3A_13 = arith.constant 1 : i32
    scf.for %scan3A_15 = %scan3A_10 to %scan3A_12 step %scan3A_13  : i32 {
      %mul3A_16 = arith.constant 100 : i32
      %mul3A_17 = arith.muli %add3A, %mul3A_16 : i32
      %add3A_18 = arith.addi %mul3A_17, %scan3A_15 : i32
      %mul3A_19 = arith.constant 128 : i32
      %mul3A_20 = arith.muli %add3A_18, %mul3A_19 : i32
      "tpu.region"() ({
        %run_scoped3A = tpu.sem_alloc : memref<!tpu.dma_semaphore, #tpu.memory_space<semaphore_mem>>
        %dma_start3A = tpu.memref_slice %arg2[%mul3A_20] : memref<409600xi32, #tpu.memory_space<hbm>> -> memref<128xi32, #tpu.memory_space<hbm>>
        %dma_start3A_82 = tpu.memref_slice %arg2[%mul3A_20] : memref<409600xi32, #tpu.memory_space<hbm>> -> memref<128xi32, #tpu.memory_space<hbm>>
        tpu.enqueue_dma source(%dma_start3A_82 : memref<128xi32, #tpu.memory_space<hbm>>) target(%arg4 : memref<128xi32, #tpu.memory_space<vmem>>) target_semaphore(%run_scoped3A : memref<!tpu.dma_semaphore, #tpu.memory_space<semaphore_mem>>)
        %dma_wait3A = tpu.memref_slice %arg2[%mul3A_20] : memref<409600xi32, #tpu.memory_space<hbm>> -> memref<128xi32, #tpu.memory_space<hbm>>
        %dma_wait3A_83 = tpu.memref_slice %arg2[%mul3A_20] : memref<409600xi32, #tpu.memory_space<hbm>> -> memref<128xi32, #tpu.memory_space<hbm>>
        tpu.wait_dma2 semaphore(%run_scoped3A : memref<!tpu.dma_semaphore, #tpu.memory_space<semaphore_mem>>) src(%dma_wait3A_83 : memref<128xi32, #tpu.memory_space<hbm>>) dst(%arg4 : memref<128xi32, #tpu.memory_space<vmem>>)
        tpu.yield
      }) : () -> ()
      %get3A = arith.constant 0 : index
      %get3A_21 = tpu.vector_load %arg4[%get3A] {strides = array<i32>} : memref<128xi32, #tpu.memory_space<vmem>>, vector<16xi32>,
      %shift_right_logical3A = arith.constant 7 : i32
      %shift_right_logical3A_22 = vector.broadcast %shift_right_logical3A : i32 to vector<16xi32>
      %shift_right_logical3A_23 = arith.shrui %get3A_21, %shift_right_logical3A_22 : vector<16xi32>
      %and3A = arith.constant 127 : i32
      %and3A_24 = vector.broadcast %and3A : i32 to vector<16xi32>
      %and3A_25 = arith.andi %get3A_21, %and3A_24 : vector<16xi32>
      tpu.vector_store_idx %arg5[%shift_right_logical3A_23, %and3A_25], %broadcast_in_dim3A_3 {add = true} : memref<288x128xf32, #tpu.memory_space<vmem>>[vector<16xi32>, vector<16xi32>], vector<16xf32>,
      %get3A_26 = arith.constant 16 : index
      %get3A_27 = tpu.vector_load %arg4[%get3A_26] {strides = array<i32>} : memref<128xi32, #tpu.memory_space<vmem>>, vector<16xi32>,
      %shift_right_logical3A_28 = arith.constant 7 : i32
      %shift_right_logical3A_29 = vector.broadcast %shift_right_logical3A_28 : i32 to vector<16xi32>
      %shift_right_logical3A_30 = arith.shrui %get3A_27, %shift_right_logical3A_29 : vector<16xi32>
      %and3A_31 = arith.constant 127 : i32
      %and3A_32 = vector.broadcast %and3A_31 : i32 to vector<16xi32>
      %and3A_33 = arith.andi %get3A_27, %and3A_32 : vector<16xi32>
      tpu.vector_store_idx %arg5[%shift_right_logical3A_30, %and3A_33], %broadcast_in_dim3A_3 {add = true} : memref<288x128xf32, #tpu.memory_space<vmem>>[vector<16xi32>, vector<16xi32>], vector<16xf32>,
      %get3A_34 = arith.constant 32 : index
      %get3A_35 = tpu.vector_load %arg4[%get3A_34] {strides = array<i32>} : memref<128xi32, #tpu.memory_space<vmem>>, vector<16xi32>,
      %shift_right_logical3A_36 = arith.constant 7 : i32
      %shift_right_logical3A_37 = vector.broadcast %shift_right_logical3A_36 : i32 to vector<16xi32>
      %shift_right_logical3A_38 = arith.shrui %get3A_35, %shift_right_logical3A_37 : vector<16xi32>
      %and3A_39 = arith.constant 127 : i32
      %and3A_40 = vector.broadcast %and3A_39 : i32 to vector<16xi32>
      %and3A_41 = arith.andi %get3A_35, %and3A_40 : vector<16xi32>
      tpu.vector_store_idx %arg5[%shift_right_logical3A_38, %and3A_41], %broadcast_in_dim3A_3 {add = true} : memref<288x128xf32, #tpu.memory_space<vmem>>[vector<16xi32>, vector<16xi32>], vector<16xf32>,
      %get3A_42 = arith.constant 48 : index
      %get3A_43 = tpu.vector_load %arg4[%get3A_42] {strides = array<i32>} : memref<128xi32, #tpu.memory_space<vmem>>, vector<16xi32>,
      %shift_right_logical3A_44 = arith.constant 7 : i32
      %shift_right_logical3A_45 = vector.broadcast %shift_right_logical3A_44 : i32 to vector<16xi32>
      %shift_right_logical3A_46 = arith.shrui %get3A_43, %shift_right_logical3A_45 : vector<16xi32>
      %and3A_47 = arith.constant 127 : i32
      %and3A_48 = vector.broadcast %and3A_47 : i32 to vector<16xi32>
      %and3A_49 = arith.andi %get3A_43, %and3A_48 : vector<16xi32>
      tpu.vector_store_idx %arg5[%shift_right_logical3A_46, %and3A_49], %broadcast_in_dim3A_3 {add = true} : memref<288x128xf32, #tpu.memory_space<vmem>>[vector<16xi32>, vector<16xi32>], vector<16xf32>,
      %get3A_50 = arith.constant 64 : index
      %get3A_51 = tpu.vector_load %arg4[%get3A_50] {strides = array<i32>} : memref<128xi32, #tpu.memory_space<vmem>>, vector<16xi32>,
      %shift_right_logical3A_52 = arith.constant 7 : i32
      %shift_right_logical3A_53 = vector.broadcast %shift_right_logical3A_52 : i32 to vector<16xi32>
      %shift_right_logical3A_54 = arith.shrui %get3A_51, %shift_right_logical3A_53 : vector<16xi32>
      %and3A_55 = arith.constant 127 : i32
      %and3A_56 = vector.broadcast %and3A_55 : i32 to vector<16xi32>
      %and3A_57 = arith.andi %get3A_51, %and3A_56 : vector<16xi32>
      tpu.vector_store_idx %arg5[%shift_right_logical3A_54, %and3A_57], %broadcast_in_dim3A_3 {add = true} : memref<288x128xf32, #tpu.memory_space<vmem>>[vector<16xi32>, vector<16xi32>], vector<16xf32>,
      %get3A_58 = arith.constant 80 : index
      %get3A_59 = tpu.vector_load %arg4[%get3A_58] {strides = array<i32>} : memref<128xi32, #tpu.memory_space<vmem>>, vector<16xi32>,
      %shift_right_logical3A_60 = arith.constant 7 : i32
      %shift_right_logical3A_61 = vector.broadcast %shift_right_logical3A_60 : i32 to vector<16xi32>
      %shift_right_logical3A_62 = arith.shrui %get3A_59, %shift_right_logical3A_61 : vector<16xi32>
      %and3A_63 = arith.constant 127 : i32
      %and3A_64 = vector.broadcast %and3A_63 : i32 to vector<16xi32>
      %and3A_65 = arith.andi %get3A_59, %and3A_64 : vector<16xi32>
      tpu.vector_store_idx %arg5[%shift_right_logical3A_62, %and3A_65], %broadcast_in_dim3A_3 {add = true} : memref<288x128xf32, #tpu.memory_space<vmem>>[vector<16xi32>, vector<16xi32>], vector<16xf32>,
      %get3A_66 = arith.constant 96 : index
      %get3A_67 = tpu.vector_load %arg4[%get3A_66] {strides = array<i32>} : memref<128xi32, #tpu.memory_space<vmem>>, vector<16xi32>,
      %shift_right_logical3A_68 = arith.constant 7 : i32
      %shift_right_logical3A_69 = vector.broadcast %shift_right_logical3A_68 : i32 to vector<16xi32>
      %shift_right_logical3A_70 = arith.shrui %get3A_67, %shift_right_logical3A_69 : vector<16xi32>
      %and3A_71 = arith.constant 127 : i32
      %and3A_72 = vector.broadcast %and3A_71 : i32 to vector<16xi32>
      %and3A_73 = arith.andi %get3A_67, %and3A_72 : vector<16xi32>
      tpu.vector_store_idx %arg5[%shift_right_logical3A_70, %and3A_73], %broadcast_in_dim3A_3 {add = true} : memref<288x128xf32, #tpu.memory_space<vmem>>[vector<16xi32>, vector<16xi32>], vector<16xf32>,
      %get3A_74 = arith.constant 112 : index
      %get3A_75 = tpu.vector_load %arg4[%get3A_74] {strides = array<i32>} : memref<128xi32, #tpu.memory_space<vmem>>, vector<16xi32>,
      %shift_right_logical3A_76 = arith.constant 7 : i32
      %shift_right_logical3A_77 = vector.broadcast %shift_right_logical3A_76 : i32 to vector<16xi32>
      %shift_right_logical3A_78 = arith.shrui %get3A_75, %shift_right_logical3A_77 : vector<16xi32>
      %and3A_79 = arith.constant 127 : i32
      %and3A_80 = vector.broadcast %and3A_79 : i32 to vector<16xi32>
      %and3A_81 = arith.andi %get3A_75, %and3A_80 : vector<16xi32>
      tpu.vector_store_idx %arg5[%shift_right_logical3A_78, %and3A_81], %broadcast_in_dim3A_3 {add = true} : memref<288x128xf32, #tpu.memory_space<vmem>>[vector<16xi32>, vector<16xi32>], vector<16xf32>,
    }
    %scan3A_14 = arith.constant 100 : i32
    "tpu.region"() ({
      %run_scoped3A = tpu.sem_alloc : memref<!tpu.dma_semaphore, #tpu.memory_space<semaphore_mem>>
      %dma_start3A = arith.constant 0 : i32
      %dma_start3A_15 = arith.constant 0 : i32
      %dma_start3A_16 = tpu.memref_slice %arg3[%arg0, %arg1, %dma_start3A, %dma_start3A_15] : memref<2x16x288x128xf32, #tpu.memory_space<hbm>> -> memref<1x1x288x128xf32, #tpu.memory_space<hbm>>
      %dma_start3A_17 = tpu.memref_squeeze %dma_start3A_16 : memref<1x1x288x128xf32, #tpu.memory_space<hbm>> -> memref<288x128xf32, #tpu.memory_space<hbm>>
      %dma_start3A_18 = arith.constant 0 : i32
      %dma_start3A_19 = arith.constant 0 : i32
      %dma_start3A_20 = tpu.memref_slice %arg3[%arg0, %arg1, %dma_start3A_18, %dma_start3A_19] : memref<2x16x288x128xf32, #tpu.memory_space<hbm>> -> memref<1x1x288x128xf32, #tpu.memory_space<hbm>>
      %dma_start3A_21 = tpu.memref_squeeze %dma_start3A_20 : memref<1x1x288x128xf32, #tpu.memory_space<hbm>> -> memref<288x128xf32, #tpu.memory_space<hbm>>
      tpu.enqueue_dma source(%arg5 : memref<288x128xf32, #tpu.memory_space<vmem>>) target(%dma_start3A_21 : memref<288x128xf32, #tpu.memory_space<hbm>>) target_semaphore(%run_scoped3A : memref<!tpu.dma_semaphore, #tpu.memory_space<semaphore_mem>>)
      %dma_wait3A = arith.constant 0 : i32
      %dma_wait3A_22 = arith.constant 0 : i32
      %dma_wait3A_23 = tpu.memref_slice %arg3[%arg0, %arg1, %dma_wait3A, %dma_wait3A_22] : memref<2x16x288x128xf32, #tpu.memory_space<hbm>> -> memref<1x1x288x128xf32, #tpu.memory_space<hbm>>
      %dma_wait3A_24 = tpu.memref_squeeze %dma_wait3A_23 : memref<1x1x288x128xf32, #tpu.memory_space<hbm>> -> memref<288x128xf32, #tpu.memory_space<hbm>>
      %dma_wait3A_25 = arith.constant 0 : i32
      %dma_wait3A_26 = arith.constant 0 : i32
      %dma_wait3A_27 = tpu.memref_slice %arg3[%arg0, %arg1, %dma_wait3A_25, %dma_wait3A_26] : memref<2x16x288x128xf32, #tpu.memory_space<hbm>> -> memref<1x1x288x128xf32, #tpu.memory_space<hbm>>
      %dma_wait3A_28 = tpu.memref_squeeze %dma_wait3A_27 : memref<1x1x288x128xf32, #tpu.memory_space<hbm>> -> memref<288x128xf32, #tpu.memory_space<hbm>>
      tpu.wait_dma2 semaphore(%run_scoped3A : memref<!tpu.dma_semaphore, #tpu.memory_space<semaphore_mem>>) src(%arg5 : memref<288x128xf32, #tpu.memory_space<vmem>>) dst(%dma_wait3A_28 : memref<288x128xf32, #tpu.memory_space<hbm>>)
      tpu.yield
    }) : () -> ()
    return
  }
}

</mosaic_0001>

<sc_bundles>
// kernel: _sc_degrees.3.cloned.1.call-start
scs
__scs_entry_jumppad:
0x0: {  	(pc) =	sbr.rel $0x88, $3  }
0x1: {  	(tag) =	ssettag $0x0;
	lr =	simm.s32 $0x1  }
0x2: {  	[smem:$0x3FA0] =	sst lr;
	_ =	strace $0xD0000000  }
0x3: {  	_ = 	snop  }
0x4: {  	_ = 	snop  }
0x5: {  	_ = 	snop  }
0x6: {  	_ = 	snop  }
0x7: {  	_ = 	snop  }
__scs_overlays_trampoline_lowered:
0x8: {  	[smem:$0x3FAF] =	sst s0  }
0x9: {  	[smem:$0x3FB0] =	sst s1  }
0xa: {  	[smem:$0x3FB1] =	sst s2  }
0xb: {  	[smem:$0x3FB2] =	sst s3  }
0xc: {  	[smem:$0x3FB3] =	sst s4  }
0xd: {  	[smem:$0x3FB4] =	sst s5  }
0xe: {  	[smem:$0x3FB5] =	sst s6  }
0xf: {  	[smem:$0x3FB6] =	sst s7  }
0x10: {  	[smem:$0x3FB7] =	sst s8  }
0x11: {  	[smem:$0x3FB8] =	sst s9;
	s0 =	simm.s32 @!p0 $0x0  }
0x12: {  	s1 =	sld [smem:$0x3F9E];
	s0 =	simm.s32 @p0 $0x1  }
0x13: {  	[smem:$0x3FB9] =	sst s0;
	s0 =	simm.s32 @!p1 $0x0  }
0x14: {  	s2 =	sld [smem:$0x3F9D];
	s0 =	simm.s32 @p1 $0x1  }
0x15: {  	[smem:$0x3FBA] =	sst s0;
	s0 =	simm.s32 @!p2 $0x0  }
0x16: {  	s3 =	sld [smem:$0x3FDB];
	s0 =	simm.s32 @p2 $0x1  }
0x17: {  	s4 =	simm.s32 $0x1BF5;
	[smem:$0x3FBC] =	sst s0  }
0x18: {  	s0 =	sld [smem:$0x3F9F];
	_ =	swait.ge [sflag:s4], $0x0  }
0x19: {  	s7 =	sld [smem:$0x3FA0]  }
0x1a: {  	s8 =	sadd.s32 $0xFFFFE003, lr  }
0x1b: {  	s9 =	sadd.s32 $0xFFFFFEF7, lr;
	s5 =	simm.s32 $0xFFFFFFFF;
	p2 =	slt.u32 s8, $0xFFFFF086  }
0x1c: {  	p1 =	slt.u32 s9, $0xF7A;
	s5 =	simm.s32 @!p2 $0x0  }
0x1d: {  	s5 =	simm.s32 @p1 $0x1;
	p0 =	seq.s32 s7, s2  }
0x1e: {  	s7 =	smul.u32 @!p0 $0xF7A, s2;
	p2 =	seq.s32 @!p0 s5, $0x0  }
0x1f: {  	s9 =	smul.u32 $0xF7A, s1;
	s8 =	simm.s32 @!p0 $0x1BF5;
	p2 =	por !p2, p0  }
0x20: {  	[sflag:s8] =	ssyncset.s32 @!p0 $0xFFFFF086;
	s6 =	sadd.s32 @!p0 s3, s7;
	s7 =	simm.s32 @!p0 $0x108  }
0x21: {  	s3 =	sadd.s32 s3, s9;
	s6 =	sadd.s32 @!p0 $0x88, s6;
	s7 =	simm.s32 @p2 $0x1082  }
0x22: {  	[simem:s7], [sflag:s8] =	dma.local @!p0 [hbm:s6], $0xF7A  }
0x23: {  	s9 =	sor.u32 $0xD0000000, s2;
	s6 =	simm.s32 $0x108;
	_ =	swait.ge @!p0 [sflag:s8], $0x0  }
0x24: {  	s3 =	sadd.s32 $0x88, s3;
	s6 =	simm.s32 @!p1 $0x1082;
	[sflag:s4] =	ssyncset.s32 $0xFFFFF086  }
0x25: {  	[simem:s6], [sflag:s4] =	dma.local [hbm:s3], $0xF7A  }
0x26: {  	[smem:$0x3FA0] =	sst s1;
	(tag) =	ssettag s2;
	_ =	strace s9  }
0x27: {  	s1 =	sld [smem:$0x3FB0]  }
0x28: {  	s2 =	sld [smem:$0x3FB1]  }
0x29: {  	s4 =	sld [smem:$0x3FB3]  }
0x2a: {  	p0 =	seq.s32 s5, $0x0;
	s5 =	sld [smem:$0x3FB4]  }
0x2b: {  	s6 =	sld [smem:$0x3FB5]  }
0x2c: {  	s7 =	sld [smem:$0x3FB6]  }
0x2d: {  	s3 =	simm.s32 $0x108;
	s8 =	sld [smem:$0x3FB7]  }
0x2e: {  	s3 =	simm.s32 @!p0 $0x1082;
	s9 =	sld [smem:$0x3FB8]  }
0x2f: {  	lr =	sadd.s32 s0, s3;
	s0 =	sld [smem:$0x3FAF]  }
0x30: {  	s3 =	sld [smem:$0x3FB2]  }
0x31: {  	[smem:$0x3FBB] =	sst s10  }
0x32: {  	s10 =	sld [smem:$0x3FB9];
	_ =	sdelay $0x3  }
0x33: {  	p0 =	seq.s32 s10, $0x1;
	s10 =	sld [smem:$0x3FBB];
	_ =	sdelay $0x3  }
0x34: {  	[smem:$0x3FBB] =	sst s10  }
0x35: {  	s10 =	sld [smem:$0x3FBA];
	_ =	sdelay $0x3  }
0x36: {  	p1 =	seq.s32 s10, $0x1;
	s10 =	sld [smem:$0x3FBB];
	_ =	sdelay $0x3  }
0x37: {  	[smem:$0x3FBB] =	sst s10  }
0x38: {  	s10 =	sld [smem:$0x3FBC]  }
0x39: {  	_ = 	snop;
	(pc) =	sbr.ind lr, $3  }
0x3a: {  	_ = 	snop  }
0x3b: {  	_ = 	snop  }
0x3c: {  	p2 =	seq.s32 s10, $0x1;
	s10 =	sld [smem:$0x3FBB]  }
0x3d: {  	_ =	shalt  }
0x3e: {  	_ =	shalt  }
0x3f: {  	_ =	shalt  }
0x40: {  	_ =	shalt  }
0x41: {  	_ =	shalt  }
0x42: {  	_ =	shalt  }
0x43: {  	_ =	shalt  }
0x44: {  	_ =	shalt  }
0x45: {  	_ =	shalt  }
0x46: {  	_ =	shalt  }
0x47: {  	_ =	shalt  }
0x48: {  	_ =	shalt  }
0x49: {  	_ =	shalt  }
0x4a: {  	_ =	shalt  }
0x4b: {  	_ =	shalt  }
0x4c: {  	_ =	shalt  }
0x4d: {  	_ =	shalt  }
0x4e: {  	_ =	shalt  }
0x4f: {  	_ =	shalt  }
0x50: {  	_ =	shalt  }
0x51: {  	_ =	shalt  }
0x52: {  	_ =	shalt  }
0x53: {  	_ =	shalt  }
0x54: {  	_ =	shalt  }
0x55: {  	_ =	shalt  }
0x56: {  	_ =	shalt  }
0x57: {  	_ =	shalt  }
0x58: {  	_ =	shalt  }
0x59: {  	_ =	shalt  }
0x5a: {  	_ =	shalt  }
0x5b: {  	_ =	shalt  }
0x5c: {  	_ =	shalt  }
0x5d: {  	_ =	shalt  }
0x5e: {  	_ =	shalt  }
0x5f: {  	_ =	shalt  }
0x60: {  	_ =	shalt  }
0x61: {  	_ =	shalt  }
0x62: {  	_ =	shalt  }
0x63: {  	_ =	shalt  }
0x64: {  	_ =	shalt  }
0x65: {  	_ =	shalt  }
0x66: {  	_ =	shalt  }
0x67: {  	_ =	shalt  }
0x68: {  	_ =	shalt  }
0x69: {  	_ =	shalt  }
0x6a: {  	_ =	shalt  }
0x6b: {  	_ =	shalt  }
0x6c: {  	_ =	shalt  }
0x6d: {  	_ =	shalt  }
0x6e: {  	_ =	shalt  }
0x6f: {  	_ =	shalt  }
0x70: {  	_ =	shalt  }
0x71: {  	_ =	shalt  }
0x72: {  	_ =	shalt  }
0x73: {  	_ =	shalt  }
0x74: {  	_ =	shalt  }
0x75: {  	_ =	shalt  }
0x76: {  	_ =	shalt  }
0x77: {  	_ =	shalt  }
0x78: {  	_ =	shalt  }
0x79: {  	_ =	shalt  }
0x7a: {  	_ =	shalt  }
0x7b: {  	_ =	shalt  }
0x7c: {  	_ =	shalt  }
0x7d: {  	_ =	shalt  }
0x7e: {  	_ =	shalt  }
0x7f: {  	_ =	shalt  }
0x80: {  	_ =	shalt  }
0x81: {  	_ =	shalt  }
0x82: {  	_ =	shalt  }
0x83: {  	_ =	shalt  }
0x84: {  	_ =	shalt  }
0x85: {  	_ =	shalt  }
0x86: {  	_ =	shalt  }
0x87: {  	_ =	shalt  }
.Lfunc_end0:
.L_simem_size_0:
called_computation_lowered:
.L_overlay_start_0:
0x88: {  	s2 =	sld [smem:$0x3FD9]  }
0x89: {  	s3 =	sld [smem:$0x3FFE];
	_ =	sdelay $0x1  }
0x8a: {  	s1 =	srdreg.scid  }
0x8b: {  	s0 =	sand.u32 $0x1, s1  }
0x8c: {  	s18 =	sshll.u32 s0, $0xA;
	s2 =	sadd.s32 s3, s2  }
0x8d: {  	s2 =	sadd.s32 s2, s18  }
0x8e: {  	[smem:$0x3FC7] =	sst s2  }
0x8f: {  	_ = 	snop  }
0x90: {  	s2 =	sld [smem:$0x3FC9]  }
0x91: {  	s19 =	sld [smem:$0x3FD0];
	(tm) =	ssettm $0x1  }
0x92: {  	s4 =	sld [smem:$0x3FFB];
	_ =	sdelay $0x3  }
0x93: {  	_ =	strace s4  }
0x94: {  	s4 =	sld [smem:$0x3FFC];
	_ =	sdelay $0x3  }
0x95: {  	_ =	strace s4  }
0x96: {  	s4 =	sld [smem:$0x3FFD];
	_ =	sdelay $0x3  }
0x97: {  	_ =	strace s4  }
0x98: {  	_ =	strace $0x8FFFFFFF  }
0x99: {  	s20 =	sld [smem:$0x3FDB];
	_ =	sdelay $0x1  }
0x9a: {  	s5 =	simm.s32 $_scs_section_size  }
0x9b: {  	s6 =	simm.s32 $_size__tile_overlayer_lowered;
	s7 =	simm.s32 $_tile_overlayer_lowered  }
0x9c: {  	s23 =	simm.s32 $0x1BFF;
	s22 =	sshll.u32 s7, $0x1;
	s4 =	sadd.s32 s5, s20  }
0x9d: {  	s8 =	simm.s32 $0x0;
	s21 =	sshll.u32 s6, $0x1;
	s6 =	sadd.s32 s22, s4  }
0x9e: {  	[timem:s8], [sflag:s23] =	dma.local [hbm:s6], s21  }
0x9f: {  	_ =	swait.ge [sflag:s23], s21  }
0xa0: {  	s5 =	ssub.s32 $0x0, s21;
	[sflag:s23] =	ssyncset.done $0x0  }
0xa1: {  	[sflag:s23] =	ssyncadd.s32 s5;
	_ =	sdelay $0x1  }
0xa2: {  	s24 =	simm.s32 $0x1B8B  }
0xa3: {  	_ =	swait.ge [sflag:s24], $0x1  }
0xa4: {  	[sflag:s24] =	ssyncset.done $0x0  }
0xa5: {  	s25 =	simm.s32 $0x1B8E;
	[sflag:s24] =	ssyncadd.s32 $0xFFFFFFFF  }
0xa6: {  	s26 =	simm.s32 $execute0_lowered;
	[smem:$0x3FD2] =	sst s25  }
0xa7: {  	s5 =	sshll.u32 s26, $0x1;
	_ =	strace $0x80000046;
	[dreg:$0x1] =	wrdreg $0xFFFFFFFF  }
0xa8: {  	s28 =	simm.s32 $_size_execute0_lowered;
	s4 =	sadd.s32 s4, s5;
	[dreg:$0x0] =	wrdreg $0x0  }
0xa9: {  	s5 =	sshll.u32 s28, $0x1;
	[dreg:$0x2] =	wrdreg s4  }
0xaa: {  	[dreg:$0x3] =	wrdreg s5  }
0xab: {  	[dreg:$0x4] =	wrdreg $0xC0  }
0xac: {  	_ =	task [dreg:s8], $0x5FFFF  }
0xad: {  	[dreg:$0x1] =	wrdreg $0xFFFFFFFF  }
0xae: {  	[dreg:$0x0] =	wrdreg $0x60  }
0xaf: {  	[dreg:$0x2] =	wrdreg s2  }
0xb0: {  	[dreg:$0x3] =	wrdreg s19  }
0xb1: {  	[dreg:$0x4] =	wrdreg $0x9  }
0xb2: {  	_ =	task.clear_ibuf [dreg:s8], $0x5FFFF;
	_ =	strace $0x90000046  }
0xb3: {  	s29 =	simm.s32 $0x9;
	_ =	strace $0x80000048  }
0xb4: {  	_ =	swait.ge [sflag:s29], $0x1  }
0xb5: {  	[sflag:s29] =	ssyncadd.s32 $0xFFFFFFFF  }
0xb6: {  	_ =	strace $0x90000048  }
0xb7: {  	_ =	sfence  }
0xb8: {  	s30 =	sld [smem:$0x0];
	_ =	sdelay $0x2  }
0xb9: {  	s31 =	sshll.u32 s1, $0xD;
	s1 =	sshrl.u32 s1, $0x2  }
0xba: {  	s3 =	sand.u32 $0x4000, s31;
	s1 =	sadd.s32 s1, s30  }
0xbb: {  	s0 =	sor.u32 s3, s0;
	s1 =	sshll.u32 s1, $0x11  }
0xbc: {  	s0 =	sor.u32 s1, s0  }
0xbd: {  	s0 =	sadd.s32 $0x8F2B, s0  }
0xbe: {  	[sflag:s0] =	ssyncadd.remote.s32 $0x1  }
0xbf: {  	_ =	sfence.sel $0xFFFF  }
0xc0: {  	[dreg:$0x0] =	wrdreg $0xFFFFFFFF;
	(pc) =	sbr.abs _section_cstart, $3  }
0xc1: {  	[dreg:$0x1] =	wrdreg $0xFFFFFFFF  }
0xc2: {  	_ =	task.clear_ibuf [dreg:s8], $0x2FFFF;
	_ =	strace $0x9FFFFFFF  }
0xc3: {  	(tm) =	ssettm $0x7FFFFFFF  }
tec
execute0_lowered:
.L_overlay_start_1:
0x0: {  	(tag) =	ssettag $0x1  }
0x1: {  	s0 =	srdreg.scid  }
0x2: {  	s5 =	sand.u32 $0x1, s0  }
0x3: {  	s0 =	stileid.u32;
	s6 =	smul.u32 $0x90000, s5  }
0x4: {  	s3 =	rddreg [dreg:$0x0];
	s2 =	ssub.s32 $0x2, s5;
	s8 =	smul.u32 $0x9000, s0  }
0x5: {  	s4 =	rddreg [dreg:$0x1];
	s5 =	smul.u32 $0x6400, s5;
	s7 =	sshrl.u32 s2, $0x1  }
0x6: {  	s1 =	rddreg [dreg:$0x2];
	s31 =	smul.u32 $0x640, s0;
	s7 =	ssub.s32 s2, s7  }
0x7: {  	s2 =	simm.s32 $0x0;
	s6 =	sadd.s32 s8, s6;
	s5 =	sadd.s32 s5, s3  }
0x8: {  	s8 =	simm.s32 $0x0;
	[smem:$0x7FF] =	sst s2;
	s6 =	sshrl.u32 s6, $0x3  }
0x9: {  	s5 =	sadd.s32 s31, s5;
	_ =	strace $0x80000047;
	s3 =	sadd.s32 s4, s6  }
0xa: {  	v0 =	vimm.f32 $0.0e+00;
	v1 =	vimm.f32 $1.000000000e+00;
	s4 =	smax.u32 s7, $0x1;
	s6 =	simm.s32 $0x1;
	s7 =	simm.s32 $0x80  }
.LBB2_1:
0xb: {  	s9 =	simm.s32 $0x0;
	s10 =	simm.s32 $0x200  }
.LBB2_2:
0xc: {  	p0 =	sne.s32 s10, $0x23E00;
	[tilespmem:s9+$0xF0] =	vst v0  }
0xd: {  	[tilespmem:s9+$0x80] =	vst v0  }
0xe: {  	[tilespmem:s9+$0x90] =	vst v0  }
.Ltmp0:
0xf: {  	[tilespmem:s9+$0xA0] =	vst v0;
	(pc) =	sbr.rel @p0 .LBB2_2-.Ltmp0, $4  }
0x10: {  	[tilespmem:s9+$0xB0] =	vst v0  }
0x11: {  	[tilespmem:s9+$0xC0] =	vst v0  }
0x12: {  	[tilespmem:s9+$0xD0] =	vst v0  }
0x13: {  	[tilespmem:s9+$0xE0] =	vst v0;
	s9 =	sshra.s32 s10, $0x2;
	s10 =	sadd.s32 $0x200, s10  }
0x14: {  	[tilespmem:s9+$0xF0] =	vst v0  }
0x15: {  	[tilespmem:s9+$0x80] =	vst v0  }
0x16: {  	[tilespmem:s9+$0x90] =	vst v0  }
0x17: {  	[tilespmem:s9+$0xA0] =	vst v0  }
0x18: {  	[tilespmem:s9+$0xB0] =	vst v0  }
0x19: {  	[tilespmem:s9+$0xC0] =	vst v0  }
0x1a: {  	[tilespmem:s9+$0xD0] =	vst v0  }
0x1b: {  	[tilespmem:s9+$0xE0] =	vst v0;
	s9 =	simm.s32 $0x0  }
.LBB2_4:
0x1c: {  	s10 =	sadd.s32 s9, s5  }
0x1d: {  	[tilespmem:s2], [sflag:$0x1] =	stream.linear.gather [hbm4b:s10+s2], $0x80, $0x38;
	[tilespmem:$0x9080] =	vst v63  }
0x1e: {  	_ =	swait.ge [sflag:s6], $0x80  }
0x1f: {  	[sflag:s6] =	ssyncset.done $0x0  }
0x20: {  	[sflag:s6] =	ssyncadd.s32 $0xFFFFFF80  }
0x21: {  	v2 =	vld [tilespmem:$0x0];
	_ =	sdelay $0x7  }
0x22: {  	[tilespmem:v2+s7+$0x0] =	vst.idx.add.f32.msk $0xffff, v1  }
0x23: {  	v2 =	vld [tilespmem:$0x10];
	_ =	sdelay $0x7  }
0x24: {  	[tilespmem:v2+s7+$0x0] =	vst.idx.add.f32.msk $0xffff, v1  }
0x25: {  	v2 =	vld [tilespmem:$0x20];
	_ =	sdelay $0x7  }
0x26: {  	[tilespmem:v2+s7+$0x0] =	vst.idx.add.f32.msk $0xffff, v1  }
0x27: {  	v2 =	vld [tilespmem:$0x30];
	_ =	sdelay $0x7  }
0x28: {  	[tilespmem:v2+s7+$0x0] =	vst.idx.add.f32.msk $0xffff, v1  }
0x29: {  	v2 =	vld [tilespmem:$0x40];
	_ =	sdelay $0x7  }
0x2a: {  	[tilespmem:v2+s7+$0x0] =	vst.idx.add.f32.msk $0xffff, v1  }
0x2b: {  	v2 =	vld [tilespmem:$0x50];
	_ =	sdelay $0x7  }
0x2c: {  	[tilespmem:v2+s7+$0x0] =	vst.idx.add.f32.msk $0xffff, v1  }
0x2d: {  	v2 =	vld [tilespmem:$0x60];
	_ =	sdelay $0x7  }
0x2e: {  	[tilespmem:v2+s7+$0x0] =	vst.idx.add.f32.msk $0xffff, v1  }
0x2f: {  	v2 =	vld [tilespmem:$0x70];
	_ =	sdelay $0x2  }
0x30: {  	p0 =	sne.s32 s9, $0x630  }
.Ltmp1:
0x31: {  	_ = 	snop;
	(pc) =	sbr.rel @p0 .LBB2_4-.Ltmp1, $2  }
0x32: {  	_ =	sdelay $0x2  }
0x33: {  	s9 =	sadd.s32 $0x10, s9;
	[tilespmem:v2+s7+$0x0] =	vst.idx.add.f32.msk $0xffff, v1  }
0x34: {  	s8 =	sadd.s32 $0x1, s8  }
0x35: {  	p0 =	sne.s32 s8, s4  }
.Ltmp2:
0x36: {  	_ = 	snop;
	(pc) =	sbr.rel @p0 .LBB2_1-.Ltmp2, $4  }
0x37: {  	[hbm4b:s3+s2] =	stream.linear.scatter [tilespmem:s7], [sflag:$0x1], $0x9000, $0x38;
	[tilespmem:$0x9080] =	vst v63  }
0x38: {  	_ =	swait.ge [sflag:s6], $0x9000  }
0x39: {  	[sflag:s6] =	ssyncset.done $0x0  }
0x3a: {  	[sflag:s6] =	ssyncadd.s32 $0xFFFF7000  }
0x3b: {  	_ =	sfence.sel $0x180000  }
0x3c: {  	[bflag:$0x0] =	sbarrier.arrive $0xFFFF  }
0x3d: {  	p0 =	sne.s32 s0, $0x0;
	_ =	strace $0x90000047  }
0x3e: {  	s0 =	sadd.s32 @!p0 $0x100000, s1;
	[bflag:$0x2] =	sbarrier.arrive $0xFFFF  }
0x3f: {  	[sflag:s0] =	ssyncadd.tile.s32 @!p0 $0x1;
	_ =	shalt  }
.Lfunc_end2:
_tile_overlayer_lowered:
.L_overlay_start_2:
0x40: {  	(tag) =	ssettag $0x2  }
0x41: {  	s0 =	rddreg [dreg:$0x0];
	s2 =	stileid.u32  }
0x42: {  	s1 =	rddreg [dreg:$0x1];
	p0 =	sne.s32 s2, $0x0  }
0x43: {  	s3 =	rddreg [dreg:$0x2];
	[bflag:$0x3] =	sbarrier.arrive $0xFFFF;
	s2 =	simm.s32 @!p0 $0x1C01  }
0x44: {  	[timem:s3], [sflag:s2] =	dma.local @!p0 [hbm:s0], s1  }
0x45: {  	s0 =	simm.s32 @!p0 $0x1  }
0x46: {  	_ =	swait.ge @!p0 [sflag:s0], s1  }
0x47: {  	s1 =	ssub.s32 @!p0 $0x0, s1;
	[sflag:s0] =	ssyncset.done @!p0 $0x0  }
0x48: {  	[sflag:s0] =	ssyncadd.s32 @!p0 s1  }
0x49: {  	[bflag:$0x3] =	sbarrier.arrive $0xFFFF  }
0x4a: {  	_ =	shalt  }

</sc_bundles>
